<compile_context>
chip_gen: v7x
topology: tpu7x:2x2x1
jax: 0.10.2.dev20260603
libtpu: 0.0.44.dev20260713+nightly
codegen_flags: <defaults>
</compile_context>

<pallas_src>
import functools

import jax
import jax.numpy as jnp
from jax import lax
from jax.experimental import pallas as pl
from jax.experimental.pallas import tpu as pltpu
from jax.experimental.pallas import tpu_sc as plsc

N = 100000
VOCAB = 22
D = 128
NC = 2
NS = 16
NW = NC * NS
CHUNK = 128
CHUNKS_PER_W = 25
PER_W = CHUNK * CHUNKS_PER_W
B_PAD = NW * PER_W
LAST_OFF = N - CHUNK

NBUF = 5
ROUNDS = CHUNKS_PER_W // NBUF

_mesh = plsc.VectorSubcoreMesh(core_axis_name="c", subcore_axis_name="s")


@functools.partial(
    pl.kernel,
    mesh=_mesh,
    out_type=jax.ShapeDtypeStruct((N, D), jnp.float32),
    scratch_types=(
        [pltpu.VMEM((PER_W,), jnp.int32)]
        + [pltpu.VMEM_SHARED((VOCAB, D), jnp.float32)]
        + [pltpu.VMEM((CHUNK, D), jnp.float32) for _ in range(NBUF)]
        + [pltpu.SemaphoreType.DMA for _ in range(NBUF)]
        + [pltpu.SemaphoreType.DMA for _ in range(NBUF)]
    ),
)
def _embed(emb_hbm, idx_hbm, out_hbm, idx_v, table_s, *bufs):
    rows = bufs[:NBUF]
    gsems = bufs[NBUF : 2 * NBUF]
    ssems = bufs[2 * NBUF : 3 * NBUF]
    sid = lax.axis_index("s")
    wid = sid * NC + lax.axis_index("c")
    base = wid * PER_W
    ibase = jnp.minimum(base, N - PER_W)

    idx_cp = pltpu.async_copy(idx_hbm.at[pl.ds(ibase, PER_W)], idx_v, gsems[0])

    @pl.when(sid == 0)
    def _():
        pltpu.sync_copy(emb_hbm, table_s)

    idx_cp.wait()
    plsc.subcore_barrier()

    def chunk_off(local_c):
        return jnp.minimum(base + local_c * CHUNK, LAST_OFF)

    for b in range(NBUF):
        off = chunk_off(b)
        pltpu.async_copy(
            table_s.at[idx_v.at[pl.ds(off - ibase, CHUNK)]], rows[b], gsems[b]
        )

    def store_slot(c, b):
        off = chunk_off(c)
        pltpu.make_async_copy(
            table_s.at[idx_v.at[pl.ds(off - ibase, CHUNK)]], rows[b], gsems[b]
        ).wait()
        pltpu.async_copy(rows[b], out_hbm.at[pl.ds(off, CHUNK)], ssems[b])

    def retire_and_refill(c_prev, b_prev, pred):
        off_prev = chunk_off(c_prev)
        pltpu.make_async_copy(
            rows[b_prev], out_hbm.at[pl.ds(off_prev, CHUNK)], ssems[b_prev]
        ).wait()

        @pl.when(pred)
        def _():
            noff = chunk_off(c_prev + NBUF)
            pltpu.async_copy(
                table_s.at[idx_v.at[pl.ds(noff - ibase, CHUNK)]],
                rows[b_prev],
                gsems[b_prev],
            )

    def round_body(t, carry):
        for b in range(NBUF):
            c = t * NBUF + b
            store_slot(c, b)
            if b == 0:
                @pl.when(t >= 1)
                def _():
                    retire_and_refill(c - 1, NBUF - 1, c - 1 + NBUF < CHUNKS_PER_W)
            else:
                retire_and_refill(c - 1, b - 1, c - 1 + NBUF < CHUNKS_PER_W)
        return carry

    lax.fori_loop(0, ROUNDS, round_body, 0)
    last_off = chunk_off(CHUNKS_PER_W - 1)
    pltpu.make_async_copy(
        rows[NBUF - 1], out_hbm.at[pl.ds(last_off, CHUNK)], ssems[NBUF - 1]
    ).wait()


def kernel(x, emb):
    return _embed(emb, x.reshape(-1).astype(jnp.int32))

# --- scband reference (transcript-rebuilt; emitter-appended) ---
"""Pipeline reference for scband-atom-encoder-56994216018157 (READ-ONLY COPY).

The authoritative reference and input builder live on the scoring server;
editing this copy changes nothing except your own understanding.
"""

import jax, jax.numpy as jnp
import numpy as np

N_NODES = 100000
VOCAB = 22
HIDDEN = 128

def setup_inputs(seed: int = 0) -> dict:
    key = jax.random.key(seed)
    k1, k2 = jax.random.split(key)
    x = jax.random.randint(k1, (N_NODES,), 0, VOCAB, dtype=jnp.int64) if jax.config.jax_enable_x64 else jax.random.randint(k1, (N_NODES,), 0, VOCAB, dtype=jnp.int32)
    emb = jax.random.normal(k2, (VOCAB, HIDDEN), dtype=jnp.float32)
    return {"x": x, "emb": emb}

def reference(x, emb):
    # AtomEncoder.forward: embed flattened atom-type indices.
    # p.ptensors0.from_matrix is a zero-copy wrapper; the numeric content
    # is exactly the embedding lookup matrix.
    flat = x.reshape(-1)
    out = jnp.take(emb, flat, axis=0)
    return out

if __name__ == "__main__":
    import jax
    _d = setup_inputs()
    print(jax.jit(kernel)(*tuple(_d.values())))

</pallas_src>

<mosaic_0001>
#map = affine_map<(d0, d1) -> (0, 0)>
#map1 = affine_map<(d0, d1) -> (0)>
module attributes {stable_mosaic.version = 14 : i64} {
  func.func @_embed(%arg0: i32, %arg1: i32, %arg2: memref<22x128xf32, #tpu.memory_space<hbm>>, %arg3: memref<100000xi32, #tpu.memory_space<hbm>>, %arg4: memref<100000x128xf32, #tpu.memory_space<hbm>>, %arg5: memref<3200xi32, #tpu.memory_space<vmem>>, %arg6: memref<22x128xf32, #tpu.memory_space<vmem_shared>>, %arg7: memref<128x128xf32, #tpu.memory_space<vmem>>, %arg8: memref<128x128xf32, #tpu.memory_space<vmem>>, %arg9: memref<128x128xf32, #tpu.memory_space<vmem>>, %arg10: memref<128x128xf32, #tpu.memory_space<vmem>>, %arg11: memref<128x128xf32, #tpu.memory_space<vmem>>, %arg12: memref<!tpu.dma_semaphore, #tpu.memory_space<semaphore_mem>>, %arg13: memref<!tpu.dma_semaphore, #tpu.memory_space<semaphore_mem>>, %arg14: memref<!tpu.dma_semaphore, #tpu.memory_space<semaphore_mem>>, %arg15: memref<!tpu.dma_semaphore, #tpu.memory_space<semaphore_mem>>, %arg16: memref<!tpu.dma_semaphore, #tpu.memory_space<semaphore_mem>>, %arg17: memref<!tpu.dma_semaphore, #tpu.memory_space<semaphore_mem>>, %arg18: memref<!tpu.dma_semaphore, #tpu.memory_space<semaphore_mem>>, %arg19: memref<!tpu.dma_semaphore, #tpu.memory_space<semaphore_mem>>, %arg20: memref<!tpu.dma_semaphore, #tpu.memory_space<semaphore_mem>>, %arg21: memref<!tpu.dma_semaphore, #tpu.memory_space<semaphore_mem>>) attributes {dimension_semantics = [#tpu.dimension_semantics<core_parallel>, #tpu.dimension_semantics<subcore_parallel>], iteration_bounds = array<i64: 2, 16>, scalar_prefetch = 0 : i64, scratch_operands = 17 : i64, tpu.core_type = #tpu.core_type<sc_vector_subcore>, window_params = [{transform_indices = #map}, {transform_indices = #map1}, {transform_indices = #map}]} {
    %mul3A = arith.constant 2 : i32
    %mul3A_0 = arith.muli %arg1, %mul3A : i32
    %add3A = arith.addi %mul3A_0, %arg0 : i32
    %mul3A_1 = arith.constant 3200 : i32
    %mul3A_2 = arith.muli %add3A, %mul3A_1 : i32
    %min3A = arith.constant 96800 : i32
    %min3A_3 = arith.minsi %mul3A_2, %min3A : i32
    %dma_start3A = tpu.memref_slice %arg3[%min3A_3] : memref<100000xi32, #tpu.memory_space<hbm>> -> memref<3200xi32, #tpu.memory_space<hbm>>
    %dma_start3A_4 = tpu.memref_slice %arg3[%min3A_3] : memref<100000xi32, #tpu.memory_space<hbm>> -> memref<3200xi32, #tpu.memory_space<hbm>>
    tpu.enqueue_dma source(%dma_start3A_4 : memref<3200xi32, #tpu.memory_space<hbm>>) target(%arg5 : memref<3200xi32, #tpu.memory_space<vmem>>) target_semaphore(%arg12 : memref<!tpu.dma_semaphore, #tpu.memory_space<semaphore_mem>>)
    %eq3A = arith.constant 0 : i32
    %eq3A_5 = arith.cmpi eq, %arg1, %eq3A : i32
    %convert_element_type3A = arith.extui %eq3A_5 : i1 to i32
    %cond3A = arith.constant 0 : i32
    %cond3A_6 = arith.cmpi ne, %convert_element_type3A, %cond3A : i32
    scf.if %cond3A_6 {
      "tpu.region"() ({
        %run_scoped3A = tpu.sem_alloc : memref<!tpu.dma_semaphore, #tpu.memory_space<semaphore_mem>>
        tpu.enqueue_dma source(%arg2 : memref<22x128xf32, #tpu.memory_space<hbm>>) target(%arg6 : memref<22x128xf32, #tpu.memory_space<vmem_shared>>) target_semaphore(%run_scoped3A : memref<!tpu.dma_semaphore, #tpu.memory_space<semaphore_mem>>)
        tpu.wait_dma2 semaphore(%run_scoped3A : memref<!tpu.dma_semaphore, #tpu.memory_space<semaphore_mem>>) src(%arg2 : memref<22x128xf32, #tpu.memory_space<hbm>>) dst(%arg6 : memref<22x128xf32, #tpu.memory_space<vmem_shared>>)
        tpu.yield
      }) : () -> ()
    } else {
    }
    %dma_wait3A = tpu.memref_slice %arg3[%min3A_3] : memref<100000xi32, #tpu.memory_space<hbm>> -> memref<3200xi32, #tpu.memory_space<hbm>>
    %dma_wait3A_7 = tpu.memref_slice %arg3[%min3A_3] : memref<100000xi32, #tpu.memory_space<hbm>> -> memref<3200xi32, #tpu.memory_space<hbm>>
    tpu.wait_dma2 semaphore(%arg12 : memref<!tpu.dma_semaphore, #tpu.memory_space<semaphore_mem>>) src(%dma_wait3A_7 : memref<3200xi32, #tpu.memory_space<hbm>>) dst(%arg5 : memref<3200xi32, #tpu.memory_space<vmem>>)
    %barrier3A = arith.constant 0 : index
    tpu.barrier barrier_id(%barrier3A)
    %add3A_8 = arith.constant 0 : i32
    %add3A_9 = arith.addi %mul3A_2, %add3A_8 : i32
    %min3A_10 = arith.constant 99872 : i32
    %min3A_11 = arith.minsi %add3A_9, %min3A_10 : i32
    %sub3A = arith.subi %min3A_11, %min3A_3 : i32
    %dma_start3A_12 = tpu.memref_slice %arg5[%sub3A] : memref<3200xi32, #tpu.memory_space<vmem>> -> memref<128xi32, #tpu.memory_space<vmem>>
    %dma_start3A_13 = arith.constant 0 : i32
    %dma_start3A_14 = arith.constant 0 : i32
    %dma_start3A_15 = tpu.memref_slice %arg6[%dma_start3A_13, %dma_start3A_14] : memref<22x128xf32, #tpu.memory_space<vmem_shared>> -> memref<22x128xf32, #tpu.memory_space<vmem_shared>>
    tpu.enqueue_indirect_dma source(%dma_start3A_15 : memref<22x128xf32, #tpu.memory_space<vmem_shared>>) target(%arg7 : memref<128x128xf32, #tpu.memory_space<vmem>>) offsets(%dma_start3A_12 : memref<128xi32, #tpu.memory_space<vmem>>) semaphore(%arg12 : memref<!tpu.dma_semaphore, #tpu.memory_space<semaphore_mem>>)
    %add3A_16 = arith.constant 128 : i32
    %add3A_17 = arith.addi %mul3A_2, %add3A_16 : i32
    %min3A_18 = arith.constant 99872 : i32
    %min3A_19 = arith.minsi %add3A_17, %min3A_18 : i32
    %sub3A_20 = arith.subi %min3A_19, %min3A_3 : i32
    %dma_start3A_21 = tpu.memref_slice %arg5[%sub3A_20] : memref<3200xi32, #tpu.memory_space<vmem>> -> memref<128xi32, #tpu.memory_space<vmem>>
    %dma_start3A_22 = arith.constant 0 : i32
    %dma_start3A_23 = arith.constant 0 : i32
    %dma_start3A_24 = tpu.memref_slice %arg6[%dma_start3A_22, %dma_start3A_23] : memref<22x128xf32, #tpu.memory_space<vmem_shared>> -> memref<22x128xf32, #tpu.memory_space<vmem_shared>>
    tpu.enqueue_indirect_dma source(%dma_start3A_24 : memref<22x128xf32, #tpu.memory_space<vmem_shared>>) target(%arg8 : memref<128x128xf32, #tpu.memory_space<vmem>>) offsets(%dma_start3A_21 : memref<128xi32, #tpu.memory_space<vmem>>) semaphore(%arg13 : memref<!tpu.dma_semaphore, #tpu.memory_space<semaphore_mem>>)
    %add3A_25 = arith.constant 256 : i32
    %add3A_26 = arith.addi %mul3A_2, %add3A_25 : i32
    %min3A_27 = arith.constant 99872 : i32
    %min3A_28 = arith.minsi %add3A_26, %min3A_27 : i32
    %sub3A_29 = arith.subi %min3A_28, %min3A_3 : i32
    %dma_start3A_30 = tpu.memref_slice %arg5[%sub3A_29] : memref<3200xi32, #tpu.memory_space<vmem>> -> memref<128xi32, #tpu.memory_space<vmem>>
    %dma_start3A_31 = arith.constant 0 : i32
    %dma_start3A_32 = arith.constant 0 : i32
    %dma_start3A_33 = tpu.memref_slice %arg6[%dma_start3A_31, %dma_start3A_32] : memref<22x128xf32, #tpu.memory_space<vmem_shared>> -> memref<22x128xf32, #tpu.memory_space<vmem_shared>>
    tpu.enqueue_indirect_dma source(%dma_start3A_33 : memref<22x128xf32, #tpu.memory_space<vmem_shared>>) target(%arg9 : memref<128x128xf32, #tpu.memory_space<vmem>>) offsets(%dma_start3A_30 : memref<128xi32, #tpu.memory_space<vmem>>) semaphore(%arg14 : memref<!tpu.dma_semaphore, #tpu.memory_space<semaphore_mem>>)
    %add3A_34 = arith.constant 384 : i32
    %add3A_35 = arith.addi %mul3A_2, %add3A_34 : i32
    %min3A_36 = arith.constant 99872 : i32
    %min3A_37 = arith.minsi %add3A_35, %min3A_36 : i32
    %sub3A_38 = arith.subi %min3A_37, %min3A_3 : i32
    %dma_start3A_39 = tpu.memref_slice %arg5[%sub3A_38] : memref<3200xi32, #tpu.memory_space<vmem>> -> memref<128xi32, #tpu.memory_space<vmem>>
    %dma_start3A_40 = arith.constant 0 : i32
    %dma_start3A_41 = arith.constant 0 : i32
    %dma_start3A_42 = tpu.memref_slice %arg6[%dma_start3A_40, %dma_start3A_41] : memref<22x128xf32, #tpu.memory_space<vmem_shared>> -> memref<22x128xf32, #tpu.memory_space<vmem_shared>>
    tpu.enqueue_indirect_dma source(%dma_start3A_42 : memref<22x128xf32, #tpu.memory_space<vmem_shared>>) target(%arg10 : memref<128x128xf32, #tpu.memory_space<vmem>>) offsets(%dma_start3A_39 : memref<128xi32, #tpu.memory_space<vmem>>) semaphore(%arg15 : memref<!tpu.dma_semaphore, #tpu.memory_space<semaphore_mem>>)
    %add3A_43 = arith.constant 512 : i32
    %add3A_44 = arith.addi %mul3A_2, %add3A_43 : i32
    %min3A_45 = arith.constant 99872 : i32
    %min3A_46 = arith.minsi %add3A_44, %min3A_45 : i32
    %sub3A_47 = arith.subi %min3A_46, %min3A_3 : i32
    %dma_start3A_48 = tpu.memref_slice %arg5[%sub3A_47] : memref<3200xi32, #tpu.memory_space<vmem>> -> memref<128xi32, #tpu.memory_space<vmem>>
    %dma_start3A_49 = arith.constant 0 : i32
    %dma_start3A_50 = arith.constant 0 : i32
    %dma_start3A_51 = tpu.memref_slice %arg6[%dma_start3A_49, %dma_start3A_50] : memref<22x128xf32, #tpu.memory_space<vmem_shared>> -> memref<22x128xf32, #tpu.memory_space<vmem_shared>>
    tpu.enqueue_indirect_dma source(%dma_start3A_51 : memref<22x128xf32, #tpu.memory_space<vmem_shared>>) target(%arg11 : memref<128x128xf32, #tpu.memory_space<vmem>>) offsets(%dma_start3A_48 : memref<128xi32, #tpu.memory_space<vmem>>) semaphore(%arg16 : memref<!tpu.dma_semaphore, #tpu.memory_space<semaphore_mem>>)
    %scan3A = arith.constant 0 : i32
    %scan3A_52 = arith.constant 0 : i32
    %scan3A_53 = arith.constant 5 : i32
    %scan3A_54 = arith.addi %scan3A_52, %scan3A_53 : i32
    %scan3A_55 = arith.constant 1 : i32
    scf.for %scan3A_65 = %scan3A_52 to %scan3A_54 step %scan3A_55  : i32 {
      %mul3A_66 = arith.constant 5 : i32
      %mul3A_67 = arith.muli %scan3A_65, %mul3A_66 : i32
      %add3A_68 = arith.constant 0 : i32
      %add3A_69 = arith.addi %mul3A_67, %add3A_68 : i32
      %mul3A_70 = arith.constant 128 : i32
      %mul3A_71 = arith.muli %add3A_69, %mul3A_70 : i32
      %add3A_72 = arith.addi %mul3A_2, %mul3A_71 : i32
      %min3A_73 = arith.constant 99872 : i32
      %min3A_74 = arith.minsi %add3A_72, %min3A_73 : i32
      %sub3A_75 = arith.subi %min3A_74, %min3A_3 : i32
      %dma_wait3A_76 = tpu.memref_slice %arg5[%sub3A_75] : memref<3200xi32, #tpu.memory_space<vmem>> -> memref<128xi32, #tpu.memory_space<vmem>>
      %dma_wait3A_77 = arith.constant 0 : i32
      %dma_wait3A_78 = arith.constant 0 : i32
      %dma_wait3A_79 = tpu.memref_slice %arg6[%dma_wait3A_77, %dma_wait3A_78] : memref<22x128xf32, #tpu.memory_space<vmem_shared>> -> memref<22x128xf32, #tpu.memory_space<vmem_shared>>
      tpu.wait_indirect_dma semaphore(%arg12 : memref<!tpu.dma_semaphore, #tpu.memory_space<semaphore_mem>>) src(%dma_wait3A_79 : memref<22x128xf32, #tpu.memory_space<vmem_shared>>) dst(%arg7 : memref<128x128xf32, #tpu.memory_space<vmem>>)
      %dma_start3A_80 = arith.constant 0 : i32
      %dma_start3A_81 = tpu.memref_slice %arg4[%min3A_74, %dma_start3A_80] : memref<100000x128xf32, #tpu.memory_space<hbm>> -> memref<128x128xf32, #tpu.memory_space<hbm>>
      %dma_start3A_82 = arith.constant 0 : i32
      %dma_start3A_83 = tpu.memref_slice %arg4[%min3A_74, %dma_start3A_82] : memref<100000x128xf32, #tpu.memory_space<hbm>> -> memref<128x128xf32, #tpu.memory_space<hbm>>
      tpu.enqueue_dma source(%arg7 : memref<128x128xf32, #tpu.memory_space<vmem>>) target(%dma_start3A_83 : memref<128x128xf32, #tpu.memory_space<hbm>>) target_semaphore(%arg17 : memref<!tpu.dma_semaphore, #tpu.memory_space<semaphore_mem>>)
      %ge3A = arith.constant 1 : i32
      %ge3A_84 = arith.cmpi sge, %scan3A_65, %ge3A : i32
      %convert_element_type3A_85 = arith.extui %ge3A_84 : i1 to i32
      %cond3A_86 = arith.constant 0 : i32
      %cond3A_87 = arith.cmpi ne, %convert_element_type3A_85, %cond3A_86 : i32
      scf.if %cond3A_87 {
        %sub3A_239 = arith.constant 1 : i32
        %sub3A_240 = arith.subi %add3A_69, %sub3A_239 : i32
        %sub3A_241 = arith.constant 1 : i32
        %sub3A_242 = arith.subi %add3A_69, %sub3A_241 : i32
        %add3A_243 = arith.constant 5 : i32
        %add3A_244 = arith.addi %sub3A_242, %add3A_243 : i32
        %lt3A_245 = arith.constant 25 : i32
        %lt3A_246 = arith.cmpi slt, %add3A_244, %lt3A_245 : i32
        %mul3A_247 = arith.constant 128 : i32
        %mul3A_248 = arith.muli %sub3A_240, %mul3A_247 : i32
        %add3A_249 = arith.addi %mul3A_2, %mul3A_248 : i32
        %min3A_250 = arith.constant 99872 : i32
        %min3A_251 = arith.minsi %add3A_249, %min3A_250 : i32
        %dma_wait3A_252 = arith.constant 0 : i32
        %dma_wait3A_253 = tpu.memref_slice %arg4[%min3A_251, %dma_wait3A_252] : memref<100000x128xf32, #tpu.memory_space<hbm>> -> memref<128x128xf32, #tpu.memory_space<hbm>>
        %dma_wait3A_254 = arith.constant 0 : i32
        %dma_wait3A_255 = tpu.memref_slice %arg4[%min3A_251, %dma_wait3A_254] : memref<100000x128xf32, #tpu.memory_space<hbm>> -> memref<128x128xf32, #tpu.memory_space<hbm>>
        tpu.wait_dma2 semaphore(%arg21 : memref<!tpu.dma_semaphore, #tpu.memory_space<semaphore_mem>>) src(%arg11 : memref<128x128xf32, #tpu.memory_space<vmem>>) dst(%dma_wait3A_255 : memref<128x128xf32, #tpu.memory_space<hbm>>)
        %convert_element_type3A_256 = arith.extui %lt3A_246 : i1 to i32
        %cond3A_257 = arith.constant 0 : i32
        %cond3A_258 = arith.cmpi ne, %convert_element_type3A_256, %cond3A_257 : i32
        scf.if %cond3A_258 {
          %add3A_259 = arith.constant 5 : i32
          %add3A_260 = arith.addi %sub3A_240, %add3A_259 : i32
          %mul3A_261 = arith.constant 128 : i32
          %mul3A_262 = arith.muli %add3A_260, %mul3A_261 : i32
          %add3A_263 = arith.addi %mul3A_2, %mul3A_262 : i32
          %min3A_264 = arith.constant 99872 : i32
          %min3A_265 = arith.minsi %add3A_263, %min3A_264 : i32
          %sub3A_266 = arith.subi %min3A_265, %min3A_3 : i32
          %dma_start3A_267 = tpu.memref_slice %arg5[%sub3A_266] : memref<3200xi32, #tpu.memory_space<vmem>> -> memref<128xi32, #tpu.memory_space<vmem>>
          %dma_start3A_268 = arith.constant 0 : i32
          %dma_start3A_269 = arith.constant 0 : i32
          %dma_start3A_270 = tpu.memref_slice %arg6[%dma_start3A_268, %dma_start3A_269] : memref<22x128xf32, #tpu.memory_space<vmem_shared>> -> memref<22x128xf32, #tpu.memory_space<vmem_shared>>
          tpu.enqueue_indirect_dma source(%dma_start3A_270 : memref<22x128xf32, #tpu.memory_space<vmem_shared>>) target(%arg11 : memref<128x128xf32, #tpu.memory_space<vmem>>) offsets(%dma_start3A_267 : memref<128xi32, #tpu.memory_space<vmem>>) semaphore(%arg16 : memref<!tpu.dma_semaphore, #tpu.memory_space<semaphore_mem>>)
        } else {
        }
      } else {
      }
      %mul3A_88 = arith.constant 5 : i32
      %mul3A_89 = arith.muli %scan3A_65, %mul3A_88 : i32
      %add3A_90 = arith.constant 1 : i32
      %add3A_91 = arith.addi %mul3A_89, %add3A_90 : i32
      %mul3A_92 = arith.constant 128 : i32
      %mul3A_93 = arith.muli %add3A_91, %mul3A_92 : i32
      %add3A_94 = arith.addi %mul3A_2, %mul3A_93 : i32
      %min3A_95 = arith.constant 99872 : i32
      %min3A_96 = arith.minsi %add3A_94, %min3A_95 : i32
      %sub3A_97 = arith.subi %min3A_96, %min3A_3 : i32
      %dma_wait3A_98 = tpu.memref_slice %arg5[%sub3A_97] : memref<3200xi32, #tpu.memory_space<vmem>> -> memref<128xi32, #tpu.memory_space<vmem>>
      %dma_wait3A_99 = arith.constant 0 : i32
      %dma_wait3A_100 = arith.constant 0 : i32
      %dma_wait3A_101 = tpu.memref_slice %arg6[%dma_wait3A_99, %dma_wait3A_100] : memref<22x128xf32, #tpu.memory_space<vmem_shared>> -> memref<22x128xf32, #tpu.memory_space<vmem_shared>>
      tpu.wait_indirect_dma semaphore(%arg13 : memref<!tpu.dma_semaphore, #tpu.memory_space<semaphore_mem>>) src(%dma_wait3A_101 : memref<22x128xf32, #tpu.memory_space<vmem_shared>>) dst(%arg8 : memref<128x128xf32, #tpu.memory_space<vmem>>)
      %dma_start3A_102 = arith.constant 0 : i32
      %dma_start3A_103 = tpu.memref_slice %arg4[%min3A_96, %dma_start3A_102] : memref<100000x128xf32, #tpu.memory_space<hbm>> -> memref<128x128xf32, #tpu.memory_space<hbm>>
      %dma_start3A_104 = arith.constant 0 : i32
      %dma_start3A_105 = tpu.memref_slice %arg4[%min3A_96, %dma_start3A_104] : memref<100000x128xf32, #tpu.memory_space<hbm>> -> memref<128x128xf32, #tpu.memory_space<hbm>>
      tpu.enqueue_dma source(%arg8 : memref<128x128xf32, #tpu.memory_space<vmem>>) target(%dma_start3A_105 : memref<128x128xf32, #tpu.memory_space<hbm>>) target_semaphore(%arg18 : memref<!tpu.dma_semaphore, #tpu.memory_space<semaphore_mem>>)
      %sub3A_106 = arith.constant 1 : i32
      %sub3A_107 = arith.subi %add3A_91, %sub3A_106 : i32
      %sub3A_108 = arith.constant 1 : i32
      %sub3A_109 = arith.subi %add3A_91, %sub3A_108 : i32
      %add3A_110 = arith.constant 5 : i32
      %add3A_111 = arith.addi %sub3A_109, %add3A_110 : i32
      %lt3A = arith.constant 25 : i32
      %lt3A_112 = arith.cmpi slt, %add3A_111, %lt3A : i32
      %mul3A_113 = arith.constant 128 : i32
      %mul3A_114 = arith.muli %sub3A_107, %mul3A_113 : i32
      %add3A_115 = arith.addi %mul3A_2, %mul3A_114 : i32
      %min3A_116 = arith.constant 99872 : i32
      %min3A_117 = arith.minsi %add3A_115, %min3A_116 : i32
      %dma_wait3A_118 = arith.constant 0 : i32
      %dma_wait3A_119 = tpu.memref_slice %arg4[%min3A_117, %dma_wait3A_118] : memref<100000x128xf32, #tpu.memory_space<hbm>> -> memref<128x128xf32, #tpu.memory_space<hbm>>
      %dma_wait3A_120 = arith.constant 0 : i32
      %dma_wait3A_121 = tpu.memref_slice %arg4[%min3A_117, %dma_wait3A_120] : memref<100000x128xf32, #tpu.memory_space<hbm>> -> memref<128x128xf32, #tpu.memory_space<hbm>>
      tpu.wait_dma2 semaphore(%arg17 : memref<!tpu.dma_semaphore, #tpu.memory_space<semaphore_mem>>) src(%arg7 : memref<128x128xf32, #tpu.memory_space<vmem>>) dst(%dma_wait3A_121 : memref<128x128xf32, #tpu.memory_space<hbm>>)
      %convert_element_type3A_122 = arith.extui %lt3A_112 : i1 to i32
      %cond3A_123 = arith.constant 0 : i32
      %cond3A_124 = arith.cmpi ne, %convert_element_type3A_122, %cond3A_123 : i32
      scf.if %cond3A_124 {
        %add3A_239 = arith.constant 5 : i32
        %add3A_240 = arith.addi %sub3A_107, %add3A_239 : i32
        %mul3A_241 = arith.constant 128 : i32
        %mul3A_242 = arith.muli %add3A_240, %mul3A_241 : i32
        %add3A_243 = arith.addi %mul3A_2, %mul3A_242 : i32
        %min3A_244 = arith.constant 99872 : i32
        %min3A_245 = arith.minsi %add3A_243, %min3A_244 : i32
        %sub3A_246 = arith.subi %min3A_245, %min3A_3 : i32
        %dma_start3A_247 = tpu.memref_slice %arg5[%sub3A_246] : memref<3200xi32, #tpu.memory_space<vmem>> -> memref<128xi32, #tpu.memory_space<vmem>>
        %dma_start3A_248 = arith.constant 0 : i32
        %dma_start3A_249 = arith.constant 0 : i32
        %dma_start3A_250 = tpu.memref_slice %arg6[%dma_start3A_248, %dma_start3A_249] : memref<22x128xf32, #tpu.memory_space<vmem_shared>> -> memref<22x128xf32, #tpu.memory_space<vmem_shared>>
        tpu.enqueue_indirect_dma source(%dma_start3A_250 : memref<22x128xf32, #tpu.memory_space<vmem_shared>>) target(%arg7 : memref<128x128xf32, #tpu.memory_space<vmem>>) offsets(%dma_start3A_247 : memref<128xi32, #tpu.memory_space<vmem>>) semaphore(%arg12 : memref<!tpu.dma_semaphore, #tpu.memory_space<semaphore_mem>>)
      } else {
      }
      %mul3A_125 = arith.constant 5 : i32
      %mul3A_126 = arith.muli %scan3A_65, %mul3A_125 : i32
      %add3A_127 = arith.constant 2 : i32
      %add3A_128 = arith.addi %mul3A_126, %add3A_127 : i32
      %mul3A_129 = arith.constant 128 : i32
      %mul3A_130 = arith.muli %add3A_128, %mul3A_129 : i32
      %add3A_131 = arith.addi %mul3A_2, %mul3A_130 : i32
      %min3A_132 = arith.constant 99872 : i32
      %min3A_133 = arith.minsi %add3A_131, %min3A_132 : i32
      %sub3A_134 = arith.subi %min3A_133, %min3A_3 : i32
      %dma_wait3A_135 = tpu.memref_slice %arg5[%sub3A_134] : memref<3200xi32, #tpu.memory_space<vmem>> -> memref<128xi32, #tpu.memory_space<vmem>>
      %dma_wait3A_136 = arith.constant 0 : i32
      %dma_wait3A_137 = arith.constant 0 : i32
      %dma_wait3A_138 = tpu.memref_slice %arg6[%dma_wait3A_136, %dma_wait3A_137] : memref<22x128xf32, #tpu.memory_space<vmem_shared>> -> memref<22x128xf32, #tpu.memory_space<vmem_shared>>
      tpu.wait_indirect_dma semaphore(%arg14 : memref<!tpu.dma_semaphore, #tpu.memory_space<semaphore_mem>>) src(%dma_wait3A_138 : memref<22x128xf32, #tpu.memory_space<vmem_shared>>) dst(%arg9 : memref<128x128xf32, #tpu.memory_space<vmem>>)
      %dma_start3A_139 = arith.constant 0 : i32
      %dma_start3A_140 = tpu.memref_slice %arg4[%min3A_133, %dma_start3A_139] : memref<100000x128xf32, #tpu.memory_space<hbm>> -> memref<128x128xf32, #tpu.memory_space<hbm>>
      %dma_start3A_141 = arith.constant 0 : i32
      %dma_start3A_142 = tpu.memref_slice %arg4[%min3A_133, %dma_start3A_141] : memref<100000x128xf32, #tpu.memory_space<hbm>> -> memref<128x128xf32, #tpu.memory_space<hbm>>
      tpu.enqueue_dma source(%arg9 : memref<128x128xf32, #tpu.memory_space<vmem>>) target(%dma_start3A_142 : memref<128x128xf32, #tpu.memory_space<hbm>>) target_semaphore(%arg19 : memref<!tpu.dma_semaphore, #tpu.memory_space<semaphore_mem>>)
      %sub3A_143 = arith.constant 1 : i32
      %sub3A_144 = arith.subi %add3A_128, %sub3A_143 : i32
      %sub3A_145 = arith.constant 1 : i32
      %sub3A_146 = arith.subi %add3A_128, %sub3A_145 : i32
      %add3A_147 = arith.constant 5 : i32
      %add3A_148 = arith.addi %sub3A_146, %add3A_147 : i32
      %lt3A_149 = arith.constant 25 : i32
      %lt3A_150 = arith.cmpi slt, %add3A_148, %lt3A_149 : i32
      %mul3A_151 = arith.constant 128 : i32
      %mul3A_152 = arith.muli %sub3A_144, %mul3A_151 : i32
      %add3A_153 = arith.addi %mul3A_2, %mul3A_152 : i32
      %min3A_154 = arith.constant 99872 : i32
      %min3A_155 = arith.minsi %add3A_153, %min3A_154 : i32
      %dma_wait3A_156 = arith.constant 0 : i32
      %dma_wait3A_157 = tpu.memref_slice %arg4[%min3A_155, %dma_wait3A_156] : memref<100000x128xf32, #tpu.memory_space<hbm>> -> memref<128x128xf32, #tpu.memory_space<hbm>>
      %dma_wait3A_158 = arith.constant 0 : i32
      %dma_wait3A_159 = tpu.memref_slice %arg4[%min3A_155, %dma_wait3A_158] : memref<100000x128xf32, #tpu.memory_space<hbm>> -> memref<128x128xf32, #tpu.memory_space<hbm>>
      tpu.wait_dma2 semaphore(%arg18 : memref<!tpu.dma_semaphore, #tpu.memory_space<semaphore_mem>>) src(%arg8 : memref<128x128xf32, #tpu.memory_space<vmem>>) dst(%dma_wait3A_159 : memref<128x128xf32, #tpu.memory_space<hbm>>)
      %convert_element_type3A_160 = arith.extui %lt3A_150 : i1 to i32
      %cond3A_161 = arith.constant 0 : i32
      %cond3A_162 = arith.cmpi ne, %convert_element_type3A_160, %cond3A_161 : i32
      scf.if %cond3A_162 {
        %add3A_239 = arith.constant 5 : i32
        %add3A_240 = arith.addi %sub3A_144, %add3A_239 : i32
        %mul3A_241 = arith.constant 128 : i32
        %mul3A_242 = arith.muli %add3A_240, %mul3A_241 : i32
        %add3A_243 = arith.addi %mul3A_2, %mul3A_242 : i32
        %min3A_244 = arith.constant 99872 : i32
        %min3A_245 = arith.minsi %add3A_243, %min3A_244 : i32
        %sub3A_246 = arith.subi %min3A_245, %min3A_3 : i32
        %dma_start3A_247 = tpu.memref_slice %arg5[%sub3A_246] : memref<3200xi32, #tpu.memory_space<vmem>> -> memref<128xi32, #tpu.memory_space<vmem>>
        %dma_start3A_248 = arith.constant 0 : i32
        %dma_start3A_249 = arith.constant 0 : i32
        %dma_start3A_250 = tpu.memref_slice %arg6[%dma_start3A_248, %dma_start3A_249] : memref<22x128xf32, #tpu.memory_space<vmem_shared>> -> memref<22x128xf32, #tpu.memory_space<vmem_shared>>
        tpu.enqueue_indirect_dma source(%dma_start3A_250 : memref<22x128xf32, #tpu.memory_space<vmem_shared>>) target(%arg8 : memref<128x128xf32, #tpu.memory_space<vmem>>) offsets(%dma_start3A_247 : memref<128xi32, #tpu.memory_space<vmem>>) semaphore(%arg13 : memref<!tpu.dma_semaphore, #tpu.memory_space<semaphore_mem>>)
      } else {
      }
      %mul3A_163 = arith.constant 5 : i32
      %mul3A_164 = arith.muli %scan3A_65, %mul3A_163 : i32
      %add3A_165 = arith.constant 3 : i32
      %add3A_166 = arith.addi %mul3A_164, %add3A_165 : i32
      %mul3A_167 = arith.constant 128 : i32
      %mul3A_168 = arith.muli %add3A_166, %mul3A_167 : i32
      %add3A_169 = arith.addi %mul3A_2, %mul3A_168 : i32
      %min3A_170 = arith.constant 99872 : i32
      %min3A_171 = arith.minsi %add3A_169, %min3A_170 : i32
      %sub3A_172 = arith.subi %min3A_171, %min3A_3 : i32
      %dma_wait3A_173 = tpu.memref_slice %arg5[%sub3A_172] : memref<3200xi32, #tpu.memory_space<vmem>> -> memref<128xi32, #tpu.memory_space<vmem>>
      %dma_wait3A_174 = arith.constant 0 : i32
      %dma_wait3A_175 = arith.constant 0 : i32
      %dma_wait3A_176 = tpu.memref_slice %arg6[%dma_wait3A_174, %dma_wait3A_175] : memref<22x128xf32, #tpu.memory_space<vmem_shared>> -> memref<22x128xf32, #tpu.memory_space<vmem_shared>>
      tpu.wait_indirect_dma semaphore(%arg15 : memref<!tpu.dma_semaphore, #tpu.memory_space<semaphore_mem>>) src(%dma_wait3A_176 : memref<22x128xf32, #tpu.memory_space<vmem_shared>>) dst(%arg10 : memref<128x128xf32, #tpu.memory_space<vmem>>)
      %dma_start3A_177 = arith.constant 0 : i32
      %dma_start3A_178 = tpu.memref_slice %arg4[%min3A_171, %dma_start3A_177] : memref<100000x128xf32, #tpu.memory_space<hbm>> -> memref<128x128xf32, #tpu.memory_space<hbm>>
      %dma_start3A_179 = arith.constant 0 : i32
      %dma_start3A_180 = tpu.memref_slice %arg4[%min3A_171, %dma_start3A_179] : memref<100000x128xf32, #tpu.memory_space<hbm>> -> memref<128x128xf32, #tpu.memory_space<hbm>>
      tpu.enqueue_dma source(%arg10 : memref<128x128xf32, #tpu.memory_space<vmem>>) target(%dma_start3A_180 : memref<128x128xf32, #tpu.memory_space<hbm>>) target_semaphore(%arg20 : memref<!tpu.dma_semaphore, #tpu.memory_space<semaphore_mem>>)
      %sub3A_181 = arith.constant 1 : i32
      %sub3A_182 = arith.subi %add3A_166, %sub3A_181 : i32
      %sub3A_183 = arith.constant 1 : i32
      %sub3A_184 = arith.subi %add3A_166, %sub3A_183 : i32
      %add3A_185 = arith.constant 5 : i32
      %add3A_186 = arith.addi %sub3A_184, %add3A_185 : i32
      %lt3A_187 = arith.constant 25 : i32
      %lt3A_188 = arith.cmpi slt, %add3A_186, %lt3A_187 : i32
      %mul3A_189 = arith.constant 128 : i32
      %mul3A_190 = arith.muli %sub3A_182, %mul3A_189 : i32
      %add3A_191 = arith.addi %mul3A_2, %mul3A_190 : i32
      %min3A_192 = arith.constant 99872 : i32
      %min3A_193 = arith.minsi %add3A_191, %min3A_192 : i32
      %dma_wait3A_194 = arith.constant 0 : i32
      %dma_wait3A_195 = tpu.memref_slice %arg4[%min3A_193, %dma_wait3A_194] : memref<100000x128xf32, #tpu.memory_space<hbm>> -> memref<128x128xf32, #tpu.memory_space<hbm>>
      %dma_wait3A_196 = arith.constant 0 : i32
      %dma_wait3A_197 = tpu.memref_slice %arg4[%min3A_193, %dma_wait3A_196] : memref<100000x128xf32, #tpu.memory_space<hbm>> -> memref<128x128xf32, #tpu.memory_space<hbm>>
      tpu.wait_dma2 semaphore(%arg19 : memref<!tpu.dma_semaphore, #tpu.memory_space<semaphore_mem>>) src(%arg9 : memref<128x128xf32, #tpu.memory_space<vmem>>) dst(%dma_wait3A_197 : memref<128x128xf32, #tpu.memory_space<hbm>>)
      %convert_element_type3A_198 = arith.extui %lt3A_188 : i1 to i32
      %cond3A_199 = arith.constant 0 : i32
      %cond3A_200 = arith.cmpi ne, %convert_element_type3A_198, %cond3A_199 : i32
      scf.if %cond3A_200 {
        %add3A_239 = arith.constant 5 : i32
        %add3A_240 = arith.addi %sub3A_182, %add3A_239 : i32
        %mul3A_241 = arith.constant 128 : i32
        %mul3A_242 = arith.muli %add3A_240, %mul3A_241 : i32
        %add3A_243 = arith.addi %mul3A_2, %mul3A_242 : i32
        %min3A_244 = arith.constant 99872 : i32
        %min3A_245 = arith.minsi %add3A_243, %min3A_244 : i32
        %sub3A_246 = arith.subi %min3A_245, %min3A_3 : i32
        %dma_start3A_247 = tpu.memref_slice %arg5[%sub3A_246] : memref<3200xi32, #tpu.memory_space<vmem>> -> memref<128xi32, #tpu.memory_space<vmem>>
        %dma_start3A_248 = arith.constant 0 : i32
        %dma_start3A_249 = arith.constant 0 : i32
        %dma_start3A_250 = tpu.memref_slice %arg6[%dma_start3A_248, %dma_start3A_249] : memref<22x128xf32, #tpu.memory_space<vmem_shared>> -> memref<22x128xf32, #tpu.memory_space<vmem_shared>>
        tpu.enqueue_indirect_dma source(%dma_start3A_250 : memref<22x128xf32, #tpu.memory_space<vmem_shared>>) target(%arg9 : memref<128x128xf32, #tpu.memory_space<vmem>>) offsets(%dma_start3A_247 : memref<128xi32, #tpu.memory_space<vmem>>) semaphore(%arg14 : memref<!tpu.dma_semaphore, #tpu.memory_space<semaphore_mem>>)
      } else {
      }
      %mul3A_201 = arith.constant 5 : i32
      %mul3A_202 = arith.muli %scan3A_65, %mul3A_201 : i32
      %add3A_203 = arith.constant 4 : i32
      %add3A_204 = arith.addi %mul3A_202, %add3A_203 : i32
      %mul3A_205 = arith.constant 128 : i32
      %mul3A_206 = arith.muli %add3A_204, %mul3A_205 : i32
      %add3A_207 = arith.addi %mul3A_2, %mul3A_206 : i32
      %min3A_208 = arith.constant 99872 : i32
      %min3A_209 = arith.minsi %add3A_207, %min3A_208 : i32
      %sub3A_210 = arith.subi %min3A_209, %min3A_3 : i32
      %dma_wait3A_211 = tpu.memref_slice %arg5[%sub3A_210] : memref<3200xi32, #tpu.memory_space<vmem>> -> memref<128xi32, #tpu.memory_space<vmem>>
      %dma_wait3A_212 = arith.constant 0 : i32
      %dma_wait3A_213 = arith.constant 0 : i32
      %dma_wait3A_214 = tpu.memref_slice %arg6[%dma_wait3A_212, %dma_wait3A_213] : memref<22x128xf32, #tpu.memory_space<vmem_shared>> -> memref<22x128xf32, #tpu.memory_space<vmem_shared>>
      tpu.wait_indirect_dma semaphore(%arg16 : memref<!tpu.dma_semaphore, #tpu.memory_space<semaphore_mem>>) src(%dma_wait3A_214 : memref<22x128xf32, #tpu.memory_space<vmem_shared>>) dst(%arg11 : memref<128x128xf32, #tpu.memory_space<vmem>>)
      %dma_start3A_215 = arith.constant 0 : i32
      %dma_start3A_216 = tpu.memref_slice %arg4[%min3A_209, %dma_start3A_215] : memref<100000x128xf32, #tpu.memory_space<hbm>> -> memref<128x128xf32, #tpu.memory_space<hbm>>
      %dma_start3A_217 = arith.constant 0 : i32
      %dma_start3A_218 = tpu.memref_slice %arg4[%min3A_209, %dma_start3A_217] : memref<100000x128xf32, #tpu.memory_space<hbm>> -> memref<128x128xf32, #tpu.memory_space<hbm>>
      tpu.enqueue_dma source(%arg11 : memref<128x128xf32, #tpu.memory_space<vmem>>) target(%dma_start3A_218 : memref<128x128xf32, #tpu.memory_space<hbm>>) target_semaphore(%arg21 : memref<!tpu.dma_semaphore, #tpu.memory_space<semaphore_mem>>)
      %sub3A_219 = arith.constant 1 : i32
      %sub3A_220 = arith.subi %add3A_204, %sub3A_219 : i32
      %sub3A_221 = arith.constant 1 : i32
      %sub3A_222 = arith.subi %add3A_204, %sub3A_221 : i32
      %add3A_223 = arith.constant 5 : i32
      %add3A_224 = arith.addi %sub3A_222, %add3A_223 : i32
      %lt3A_225 = arith.constant 25 : i32
      %lt3A_226 = arith.cmpi slt, %add3A_224, %lt3A_225 : i32
      %mul3A_227 = arith.constant 128 : i32
      %mul3A_228 = arith.muli %sub3A_220, %mul3A_227 : i32
      %add3A_229 = arith.addi %mul3A_2, %mul3A_228 : i32
      %min3A_230 = arith.constant 99872 : i32
      %min3A_231 = arith.minsi %add3A_229, %min3A_230 : i32
      %dma_wait3A_232 = arith.constant 0 : i32
      %dma_wait3A_233 = tpu.memref_slice %arg4[%min3A_231, %dma_wait3A_232] : memref<100000x128xf32, #tpu.memory_space<hbm>> -> memref<128x128xf32, #tpu.memory_space<hbm>>
      %dma_wait3A_234 = arith.constant 0 : i32
      %dma_wait3A_235 = tpu.memref_slice %arg4[%min3A_231, %dma_wait3A_234] : memref<100000x128xf32, #tpu.memory_space<hbm>> -> memref<128x128xf32, #tpu.memory_space<hbm>>
      tpu.wait_dma2 semaphore(%arg20 : memref<!tpu.dma_semaphore, #tpu.memory_space<semaphore_mem>>) src(%arg10 : memref<128x128xf32, #tpu.memory_space<vmem>>) dst(%dma_wait3A_235 : memref<128x128xf32, #tpu.memory_space<hbm>>)
      %convert_element_type3A_236 = arith.extui %lt3A_226 : i1 to i32
      %cond3A_237 = arith.constant 0 : i32
      %cond3A_238 = arith.cmpi ne, %convert_element_type3A_236, %cond3A_237 : i32
      scf.if %cond3A_238 {
        %add3A_239 = arith.constant 5 : i32
        %add3A_240 = arith.addi %sub3A_220, %add3A_239 : i32
        %mul3A_241 = arith.constant 128 : i32
        %mul3A_242 = arith.muli %add3A_240, %mul3A_241 : i32
        %add3A_243 = arith.addi %mul3A_2, %mul3A_242 : i32
        %min3A_244 = arith.constant 99872 : i32
        %min3A_245 = arith.minsi %add3A_243, %min3A_244 : i32
        %sub3A_246 = arith.subi %min3A_245, %min3A_3 : i32
        %dma_start3A_247 = tpu.memref_slice %arg5[%sub3A_246] : memref<3200xi32, #tpu.memory_space<vmem>> -> memref<128xi32, #tpu.memory_space<vmem>>
        %dma_start3A_248 = arith.constant 0 : i32
        %dma_start3A_249 = arith.constant 0 : i32
        %dma_start3A_250 = tpu.memref_slice %arg6[%dma_start3A_248, %dma_start3A_249] : memref<22x128xf32, #tpu.memory_space<vmem_shared>> -> memref<22x128xf32, #tpu.memory_space<vmem_shared>>
        tpu.enqueue_indirect_dma source(%dma_start3A_250 : memref<22x128xf32, #tpu.memory_space<vmem_shared>>) target(%arg10 : memref<128x128xf32, #tpu.memory_space<vmem>>) offsets(%dma_start3A_247 : memref<128xi32, #tpu.memory_space<vmem>>) semaphore(%arg15 : memref<!tpu.dma_semaphore, #tpu.memory_space<semaphore_mem>>)
      } else {
      }
    }
    %scan3A_56 = arith.constant 5 : i32
    %add3A_57 = arith.constant 3072 : i32
    %add3A_58 = arith.addi %mul3A_2, %add3A_57 : i32
    %min3A_59 = arith.constant 99872 : i32
    %min3A_60 = arith.minsi %add3A_58, %min3A_59 : i32
    %dma_wait3A_61 = arith.constant 0 : i32
    %dma_wait3A_62 = tpu.memref_slice %arg4[%min3A_60, %dma_wait3A_61] : memref<100000x128xf32, #tpu.memory_space<hbm>> -> memref<128x128xf32, #tpu.memory_space<hbm>>
    %dma_wait3A_63 = arith.constant 0 : i32
    %dma_wait3A_64 = tpu.memref_slice %arg4[%min3A_60, %dma_wait3A_63] : memref<100000x128xf32, #tpu.memory_space<hbm>> -> memref<128x128xf32, #tpu.memory_space<hbm>>
    tpu.wait_dma2 semaphore(%arg21 : memref<!tpu.dma_semaphore, #tpu.memory_space<semaphore_mem>>) src(%arg11 : memref<128x128xf32, #tpu.memory_space<vmem>>) dst(%dma_wait3A_64 : memref<128x128xf32, #tpu.memory_space<hbm>>)
    return
  }
}

</mosaic_0001>

<sc_bundles>
// kernel: kernel.3.cloned.1.call-start
scs
__scs_entry_jumppad:
0x0: {  	(pc) =	sbr.rel $0x88, $3  }
0x1: {  	(tag) =	ssettag $0x0;
	lr =	simm.s32 $0x1  }
0x2: {  	[smem:$0x3F9F] =	sst lr;
	_ =	strace $0xD0000000  }
0x3: {  	_ = 	snop  }
0x4: {  	_ = 	snop  }
0x5: {  	_ = 	snop  }
0x6: {  	_ = 	snop  }
0x7: {  	_ = 	snop  }
__scs_overlays_trampoline_lowered:
0x8: {  	[smem:$0x3FAE] =	sst s0  }
0x9: {  	[smem:$0x3FAF] =	sst s1  }
0xa: {  	[smem:$0x3FB0] =	sst s2  }
0xb: {  	[smem:$0x3FB1] =	sst s3  }
0xc: {  	[smem:$0x3FB2] =	sst s4  }
0xd: {  	[smem:$0x3FB3] =	sst s5  }
0xe: {  	[smem:$0x3FB4] =	sst s6  }
0xf: {  	[smem:$0x3FB5] =	sst s7  }
0x10: {  	[smem:$0x3FB6] =	sst s8  }
0x11: {  	[smem:$0x3FB7] =	sst s9;
	s0 =	simm.s32 @!p0 $0x0  }
0x12: {  	s1 =	sld [smem:$0x3F9D];
	s0 =	simm.s32 @p0 $0x1  }
0x13: {  	[smem:$0x3FB8] =	sst s0;
	s0 =	simm.s32 @!p1 $0x0  }
0x14: {  	s2 =	sld [smem:$0x3F9C];
	s0 =	simm.s32 @p1 $0x1  }
0x15: {  	[smem:$0x3FB9] =	sst s0;
	s0 =	simm.s32 @!p2 $0x0  }
0x16: {  	s3 =	sld [smem:$0x3FDB];
	s0 =	simm.s32 @p2 $0x1  }
0x17: {  	s4 =	simm.s32 $0x1BF5;
	[smem:$0x3FBB] =	sst s0  }
0x18: {  	s0 =	sld [smem:$0x3F9E];
	_ =	swait.ge [sflag:s4], $0x0  }
0x19: {  	s7 =	sld [smem:$0x3F9F]  }
0x1a: {  	s8 =	sadd.s32 $0xFFFFE003, lr  }
0x1b: {  	s9 =	sadd.s32 $0xFFFFFEF7, lr;
	s5 =	simm.s32 $0xFFFFFFFF;
	p2 =	slt.u32 s8, $0xFFFFF086  }
0x1c: {  	p1 =	slt.u32 s9, $0xF7A;
	s5 =	simm.s32 @!p2 $0x0  }
0x1d: {  	s5 =	simm.s32 @p1 $0x1;
	p0 =	seq.s32 s7, s2  }
0x1e: {  	s7 =	smul.u32 @!p0 $0xF7A, s2;
	p2 =	seq.s32 @!p0 s5, $0x0  }
0x1f: {  	s9 =	smul.u32 $0xF7A, s1;
	s8 =	simm.s32 @!p0 $0x1BF5;
	p2 =	por !p2, p0  }
0x20: {  	[sflag:s8] =	ssyncset.s32 @!p0 $0xFFFFF086;
	s6 =	sadd.s32 @!p0 s3, s7;
	s7 =	simm.s32 @!p0 $0x108  }
0x21: {  	s3 =	sadd.s32 s3, s9;
	s6 =	sadd.s32 @!p0 $0x88, s6;
	s7 =	simm.s32 @p2 $0x1082  }
0x22: {  	[simem:s7], [sflag:s8] =	dma.local @!p0 [hbm:s6], $0xF7A  }
0x23: {  	s9 =	sor.u32 $0xD0000000, s2;
	s6 =	simm.s32 $0x108;
	_ =	swait.ge @!p0 [sflag:s8], $0x0  }
0x24: {  	s3 =	sadd.s32 $0x88, s3;
	s6 =	simm.s32 @!p1 $0x1082;
	[sflag:s4] =	ssyncset.s32 $0xFFFFF086  }
0x25: {  	[simem:s6], [sflag:s4] =	dma.local [hbm:s3], $0xF7A  }
0x26: {  	[smem:$0x3F9F] =	sst s1;
	(tag) =	ssettag s2;
	_ =	strace s9  }
0x27: {  	s1 =	sld [smem:$0x3FAF]  }
0x28: {  	s2 =	sld [smem:$0x3FB0]  }
0x29: {  	s4 =	sld [smem:$0x3FB2]  }
0x2a: {  	p0 =	seq.s32 s5, $0x0;
	s5 =	sld [smem:$0x3FB3]  }
0x2b: {  	s6 =	sld [smem:$0x3FB4]  }
0x2c: {  	s7 =	sld [smem:$0x3FB5]  }
0x2d: {  	s3 =	simm.s32 $0x108;
	s8 =	sld [smem:$0x3FB6]  }
0x2e: {  	s3 =	simm.s32 @!p0 $0x1082;
	s9 =	sld [smem:$0x3FB7]  }
0x2f: {  	lr =	sadd.s32 s0, s3;
	s0 =	sld [smem:$0x3FAE]  }
0x30: {  	s3 =	sld [smem:$0x3FB1]  }
0x31: {  	[smem:$0x3FBA] =	sst s10  }
0x32: {  	s10 =	sld [smem:$0x3FB8];
	_ =	sdelay $0x3  }
0x33: {  	p0 =	seq.s32 s10, $0x1;
	s10 =	sld [smem:$0x3FBA];
	_ =	sdelay $0x3  }
0x34: {  	[smem:$0x3FBA] =	sst s10  }
0x35: {  	s10 =	sld [smem:$0x3FB9];
	_ =	sdelay $0x3  }
0x36: {  	p1 =	seq.s32 s10, $0x1;
	s10 =	sld [smem:$0x3FBA];
	_ =	sdelay $0x3  }
0x37: {  	[smem:$0x3FBA] =	sst s10  }
0x38: {  	s10 =	sld [smem:$0x3FBB]  }
0x39: {  	_ = 	snop;
	(pc) =	sbr.ind lr, $3  }
0x3a: {  	_ = 	snop  }
0x3b: {  	_ = 	snop  }
0x3c: {  	p2 =	seq.s32 s10, $0x1;
	s10 =	sld [smem:$0x3FBA]  }
0x3d: {  	_ =	shalt  }
0x3e: {  	_ =	shalt  }
0x3f: {  	_ =	shalt  }
0x40: {  	_ =	shalt  }
0x41: {  	_ =	shalt  }
0x42: {  	_ =	shalt  }
0x43: {  	_ =	shalt  }
0x44: {  	_ =	shalt  }
0x45: {  	_ =	shalt  }
0x46: {  	_ =	shalt  }
0x47: {  	_ =	shalt  }
0x48: {  	_ =	shalt  }
0x49: {  	_ =	shalt  }
0x4a: {  	_ =	shalt  }
0x4b: {  	_ =	shalt  }
0x4c: {  	_ =	shalt  }
0x4d: {  	_ =	shalt  }
0x4e: {  	_ =	shalt  }
0x4f: {  	_ =	shalt  }
0x50: {  	_ =	shalt  }
0x51: {  	_ =	shalt  }
0x52: {  	_ =	shalt  }
0x53: {  	_ =	shalt  }
0x54: {  	_ =	shalt  }
0x55: {  	_ =	shalt  }
0x56: {  	_ =	shalt  }
0x57: {  	_ =	shalt  }
0x58: {  	_ =	shalt  }
0x59: {  	_ =	shalt  }
0x5a: {  	_ =	shalt  }
0x5b: {  	_ =	shalt  }
0x5c: {  	_ =	shalt  }
0x5d: {  	_ =	shalt  }
0x5e: {  	_ =	shalt  }
0x5f: {  	_ =	shalt  }
0x60: {  	_ =	shalt  }
0x61: {  	_ =	shalt  }
0x62: {  	_ =	shalt  }
0x63: {  	_ =	shalt  }
0x64: {  	_ =	shalt  }
0x65: {  	_ =	shalt  }
0x66: {  	_ =	shalt  }
0x67: {  	_ =	shalt  }
0x68: {  	_ =	shalt  }
0x69: {  	_ =	shalt  }
0x6a: {  	_ =	shalt  }
0x6b: {  	_ =	shalt  }
0x6c: {  	_ =	shalt  }
0x6d: {  	_ =	shalt  }
0x6e: {  	_ =	shalt  }
0x6f: {  	_ =	shalt  }
0x70: {  	_ =	shalt  }
0x71: {  	_ =	shalt  }
0x72: {  	_ =	shalt  }
0x73: {  	_ =	shalt  }
0x74: {  	_ =	shalt  }
0x75: {  	_ =	shalt  }
0x76: {  	_ =	shalt  }
0x77: {  	_ =	shalt  }
0x78: {  	_ =	shalt  }
0x79: {  	_ =	shalt  }
0x7a: {  	_ =	shalt  }
0x7b: {  	_ =	shalt  }
0x7c: {  	_ =	shalt  }
0x7d: {  	_ =	shalt  }
0x7e: {  	_ =	shalt  }
0x7f: {  	_ =	shalt  }
0x80: {  	_ =	shalt  }
0x81: {  	_ =	shalt  }
0x82: {  	_ =	shalt  }
0x83: {  	_ =	shalt  }
0x84: {  	_ =	shalt  }
0x85: {  	_ =	shalt  }
0x86: {  	_ =	shalt  }
0x87: {  	_ =	shalt  }
.Lfunc_end0:
.L_simem_size_0:
called_computation_lowered:
.L_overlay_start_0:
0x88: {  	s2 =	sld [smem:$0x3FD9]  }
0x89: {  	s3 =	sld [smem:$0x3FFE];
	_ =	sdelay $0x1  }
0x8a: {  	s1 =	srdreg.scid  }
0x8b: {  	s0 =	sand.u32 $0x1, s1  }
0x8c: {  	s18 =	sshll.u32 s0, $0xA;
	s2 =	sadd.s32 s3, s2  }
0x8d: {  	s2 =	sadd.s32 s2, s18  }
0x8e: {  	[smem:$0x3FC6] =	sst s2  }
0x8f: {  	_ = 	snop  }
0x90: {  	s2 =	sld [smem:$0x3FC9]  }
0x91: {  	s19 =	sld [smem:$0x3FC8]  }
0x92: {  	s4 =	sld [smem:$0x3FD0];
	(tm) =	ssettm $0x1  }
0x93: {  	s5 =	sld [smem:$0x3FFB];
	_ =	sdelay $0x3  }
0x94: {  	_ =	strace s5  }
0x95: {  	s5 =	sld [smem:$0x3FFC];
	_ =	sdelay $0x3  }
0x96: {  	_ =	strace s5  }
0x97: {  	s5 =	sld [smem:$0x3FFD];
	_ =	sdelay $0x3  }
0x98: {  	_ =	strace s5  }
0x99: {  	_ =	strace $0x8FFFFFFF  }
0x9a: {  	s20 =	sld [smem:$0x3FDB];
	_ =	sdelay $0x1  }
0x9b: {  	s6 =	simm.s32 $_scs_section_size  }
0x9c: {  	s7 =	simm.s32 $_size__tile_overlayer_lowered;
	s8 =	simm.s32 $_tile_overlayer_lowered  }
0x9d: {  	s23 =	simm.s32 $0x1BFF;
	s22 =	sshll.u32 s8, $0x1;
	s5 =	sadd.s32 s6, s20  }
0x9e: {  	s9 =	simm.s32 $0x0;
	s21 =	sshll.u32 s7, $0x1;
	s7 =	sadd.s32 s22, s5  }
0x9f: {  	[timem:s9], [sflag:s23] =	dma.local [hbm:s7], s21  }
0xa0: {  	_ =	swait.ge [sflag:s23], s21  }
0xa1: {  	s6 =	ssub.s32 $0x0, s21;
	[sflag:s23] =	ssyncset.done $0x0  }
0xa2: {  	[sflag:s23] =	ssyncadd.s32 s6;
	_ =	sdelay $0x1  }
0xa3: {  	s24 =	simm.s32 $0x1B8B  }
0xa4: {  	_ =	swait.ge [sflag:s24], $0x1  }
0xa5: {  	[sflag:s24] =	ssyncset.done $0x0  }
0xa6: {  	s25 =	simm.s32 $0x1B8E;
	[sflag:s24] =	ssyncadd.s32 $0xFFFFFFFF  }
0xa7: {  	s26 =	simm.s32 $execute0_lowered;
	[smem:$0x3FD2] =	sst s25  }
0xa8: {  	s6 =	sshll.u32 s26, $0x1;
	_ =	strace $0x80000046;
	[dreg:$0x1] =	wrdreg $0xFFFFFFFF  }
0xa9: {  	s28 =	simm.s32 $_size_execute0_lowered;
	s5 =	sadd.s32 s5, s6;
	[dreg:$0x0] =	wrdreg $0x0  }
0xaa: {  	s6 =	sshll.u32 s28, $0x1;
	[dreg:$0x2] =	wrdreg s5  }
0xab: {  	[dreg:$0x3] =	wrdreg s6  }
0xac: {  	[dreg:$0x4] =	wrdreg $0xC0  }
0xad: {  	_ =	task [dreg:s9], $0x5FFFF  }
0xae: {  	[dreg:$0x1] =	wrdreg $0xFFFFFFFF  }
0xaf: {  	[dreg:$0x0] =	wrdreg $0x60  }
0xb0: {  	[dreg:$0x2] =	wrdreg s19  }
0xb1: {  	[dreg:$0x3] =	wrdreg s2  }
0xb2: {  	[dreg:$0x4] =	wrdreg s4  }
0xb3: {  	[dreg:$0x5] =	wrdreg $0xC800  }
0xb4: {  	[dreg:$0x6] =	wrdreg $0x9  }
0xb5: {  	_ =	task.clear_ibuf [dreg:s9], $0x7FFFF;
	_ =	strace $0x90000046  }
0xb6: {  	s29 =	simm.s32 $0x9;
	_ =	strace $0x80000048  }
0xb7: {  	_ =	swait.ge [sflag:s29], $0x1  }
0xb8: {  	[sflag:s29] =	ssyncadd.s32 $0xFFFFFFFF  }
0xb9: {  	_ =	strace $0x90000048  }
0xba: {  	_ =	sfence  }
0xbb: {  	s30 =	sld [smem:$0x0];
	_ =	sdelay $0x2  }
0xbc: {  	s31 =	sshll.u32 s1, $0xD;
	s1 =	sshrl.u32 s1, $0x2  }
0xbd: {  	s3 =	sand.u32 $0x4000, s31;
	s1 =	sadd.s32 s1, s30  }
0xbe: {  	s0 =	sor.u32 s3, s0;
	s1 =	sshll.u32 s1, $0x11  }
0xbf: {  	s0 =	sor.u32 s1, s0  }
0xc0: {  	s0 =	sadd.s32 $0x8F2B, s0  }
0xc1: {  	[sflag:s0] =	ssyncadd.remote.s32 $0x1  }
0xc2: {  	_ =	sfence.sel $0xFFFF  }
0xc3: {  	[dreg:$0x0] =	wrdreg $0xFFFFFFFF;
	(pc) =	sbr.abs _section_cstart, $3  }
0xc4: {  	[dreg:$0x1] =	wrdreg $0xFFFFFFFF  }
0xc5: {  	_ =	task.clear_ibuf [dreg:s9], $0x2FFFF;
	_ =	strace $0x9FFFFFFF  }
0xc6: {  	(tm) =	ssettm $0x7FFFFFFF  }
0xc7: {  	_ =	shalt  }
tec
execute0_lowered:
.L_overlay_start_1:
0x0: {  	(tag) =	ssettag $0x1  }
0x1: {  	s0 =	rddreg [dreg:$0x1]  }
0x2: {  	s1 =	rddreg [dreg:$0x2]  }
0x3: {  	s2 =	srdreg.scid;
	s7 =	stileid.u32  }
0x4: {  	s3 =	rddreg [dreg:$0x3];
	s15 =	simm.s32 $0x1;
	s16 =	simm.s32 $0x80  }
0x5: {  	s17 =	simm.s32 $0xD30;
	s18 =	simm.s32 $0x4D30;
	s19 =	simm.s32 $0x8D30  }
0x6: {  	s20 =	simm.s32 $0xCD30;
	s28 =	simm.s32 $0x8;
	s29 =	simm.s32 $0x5  }
0x7: {  	s30 =	simm.s32 $0x9;
	s2 =	sand.u32 $0x1, s2;
	s4 =	sshll.u32 s7, $0x1  }
0x8: {  	s31 =	simm.s32 $0xA;
	s13 =	smul.u32 $0x1900, s7;
	s5 =	sor.u32 s2, s4  }
0x9: {  	p0 =	sne.s32 s7, $0x0;
	s4 =	simm.s32 $0x0;
	s8 =	smul.u32 $0xC80, s5  }
0xa: {  	s6 =	ssub.s32 $0x2, s2;
	s23 =	smul.u32 $0xC80, s2;
	s14 =	sshrl.u32 @!p0 s3, $0x3  }
0xb: {  	s2 =	simm.s32 $0x0;
	[smem:$0x7FF] =	sst s4;
	s5 =	smin.u32 s8, $0x17A20  }
0xc: {  	s21 =	sshrl.u32 s6, $0x1;
	_ =	strace $0x80000047;
	s9 =	sshrl.u32 s5, $0x3  }
0xd: {  	s12 =	ssub.s32 s6, s21;
	s6 =	ssub.s32 s8, s5;
	s0 =	sadd.s32 s0, s9  }
0xe: {  	s13 =	sadd.s32 s23, s13;
	s22 =	sadd.s32 $0x80, s6;
	[dreg:$0x5] =	wrdreg s0  }
.Ltmp0:
0xf: {  	s24 =	sadd.s32 $0x100, s6;
	[dreg:$0x6] =	wrdreg s22;
	(pc) =	sbr.rel .LBB2_1-.Ltmp0, $4  }
0x10: {  	s21 =	simm.s32 $0x10D30;
	s25 =	sadd.s32 $0x180, s6;
	[dreg:$0x7] =	wrdreg s24  }
0x11: {  	s23 =	simm.s32 $0x6;
	s26 =	sadd.s32 $0x200, s6;
	[dreg:$0x8] =	wrdreg s25  }
0x12: {  	s12 =	smax.u32 s12, $0x1;
	[dreg:$0x9] =	wrdreg s26;
	s22 =	simm.s32 $0x2  }
0x13: {  	s24 =	simm.s32 $0x3;
	s25 =	simm.s32 $0x7;
	s26 =	simm.s32 $0x4  }
.LBB2_4:
0x14: {  	s2 =	sadd.s32 $0x1, s2  }
0x15: {  	p1 =	sne.s32 s2, s12  }
.Ltmp1:
0x16: {  	_ = 	snop;
	(pc) =	sbr.rel @!p1 .LBB2_5-.Ltmp1, $4  }
0x17: {  	_ = 	snop  }
0x18: {  	_ =	swait.ge [sflag:s31], $0x4000  }
0x19: {  	[sflag:s31] =	ssyncset.done $0x0  }
0x1a: {  	[sflag:s31] =	ssyncadd.s32 $0xFFFFC000  }
.LBB2_1:
0x1b: {  	s0 =	rddreg [dreg:$0x5]  }
0x1c: {  	[tilespmem:s4], [sflag:$0x1] =	stream.linear.gather [hbm4b:s0+s4], $0xC80, $0x38;
	[tilespmem:$0x14D30] =	vst v63  }
0x1d: {  	s7 =	rddreg [dreg:$0x0];
	s0 =	simm.s32 @!p0 $0x1C0B  }
0x1e: {  	[spmem:s14], [sflag:s0] =	dma.local @!p0 [hbm:s7], $0x160  }
0x1f: {  	s0 =	simm.s32 @!p0 $0xB  }
0x20: {  	_ =	swait.ge @!p0 [sflag:s0], $0x160  }
0x21: {  	[sflag:s0] =	ssyncset.done @!p0 $0x0  }
0x22: {  	[sflag:s0] =	ssyncadd.s32 @!p0 $0xFFFFFEA0  }
0x23: {  	_ =	swait.ge [sflag:s15], $0xC80  }
0x24: {  	[sflag:s15] =	ssyncset.done $0x0  }
0x25: {  	[sflag:s15] =	ssyncadd.s32 $0xFFFFF380  }
0x26: {  	[bflag:$0x0] =	sbarrier.arrive $0xFFFF  }
0x27: {  	[tilespmem:s17], [sflag:$0x1] =	stream.indirect.gather [spmem:s3], $0x80, s6, s16, $0xb8;
	[tilespmem:$0x14D30] =	vst v63  }
0x28: {  	s8 =	rddreg [dreg:$0x6]  }
0x29: {  	[tilespmem:s18], [sflag:$0x2] =	stream.indirect.gather [spmem:s3], $0x80, s8, s16, $0xb8;
	[tilespmem:$0x14D30] =	vst v63  }
0x2a: {  	s9 =	rddreg [dreg:$0x7]  }
0x2b: {  	[tilespmem:s19], [sflag:$0x3] =	stream.indirect.gather [spmem:s3], $0x80, s9, s16, $0xb8;
	[tilespmem:$0x14D30] =	vst v63  }
0x2c: {  	s10 =	rddreg [dreg:$0x8]  }
0x2d: {  	[tilespmem:s20], [sflag:$0x4] =	stream.indirect.gather [spmem:s3], $0x80, s10, s16, $0xb8;
	[tilespmem:$0x14D30] =	vst v63  }
0x2e: {  	s0 =	simm.s32 $0x0;
	s11 =	rddreg [dreg:$0x9]  }
0x2f: {  	[tilespmem:s21], [sflag:$0x5] =	stream.indirect.gather [spmem:s3], $0x80, s11, s16, $0xb8;
	[tilespmem:$0x14D30] =	vst v63  }
.LBB2_2:
0x30: {  	s8 =	sadd.s32 s0, s13  }
0x31: {  	p1 =	slt.s32 s8, $0x18620;
	s7 =	smov.u32 s8  }
0x32: {  	_ =	swait.ge [sflag:s15], $0x4000;
	s7 =	simm.s32 @!p1 $0x18620  }
0x33: {  	[sflag:s15] =	ssyncset.done $0x0;
	s7 =	sshll.u32 s7, $0x4  }
0x34: {  	[sflag:s15] =	ssyncadd.s32 $0xFFFFC000;
	p1 =	seq.s32 s0, $0x0;
	s7 =	sadd.s32 s1, s7  }
0x35: {  	[hbm4b:s7+s4] =	stream.linear.scatter [tilespmem:s17], [sflag:$0x6], $0x4000, $0x38;
	[tilespmem:$0x14D30] =	vst v63  }
0x36: {  	s7 =	sadd.s32 @!p1 s0, s13  }
0x37: {  	s7 =	sadd.s32 @!p1 $0x200, s7  }
0x38: {  	s9 =	simm.s32 @!p1 $0xA;
	p2 =	slt.s32 @!p1 s7, $0x18620  }
0x39: {  	_ =	swait.ge @!p1 [sflag:s9], $0x4000;
	p2 =	por !p2, p1  }
0x3a: {  	s10 =	simm.s32 @!p1 $0x10D30;
	[sflag:s9] =	ssyncset.done @!p1 $0x0;
	s7 =	simm.s32 @p2 $0x18620  }
0x3b: {  	[sflag:s9] =	ssyncadd.s32 @!p1 $0xFFFFC000;
	s9 =	simm.s32 @!p1 $0x80;
	s7 =	ssub.s32 @!p1 s7, s5  }
0x3c: {  	[tilespmem:s10], [sflag:$0x5] =	stream.indirect.gather @!p1 [spmem:s3], $0x80, s7, s9, $0xb8;
	[tilespmem:$0x14D30] =	vst v63  }
0x3d: {  	s7 =	sadd.s32 $0x80, s8  }
0x3e: {  	p1 =	slt.s32 s7, $0x18620  }
0x3f: {  	_ =	swait.ge [sflag:s22], $0x4000;
	s7 =	simm.s32 @!p1 $0x18620  }
0x40: {  	[sflag:s22] =	ssyncset.done $0x0;
	s7 =	sshll.u32 s7, $0x4  }
0x41: {  	p1 =	seq.s32 s0, $0xA00;
	[sflag:s22] =	ssyncadd.s32 $0xFFFFC000;
	s7 =	sadd.s32 s1, s7  }
0x42: {  	[hbm4b:s7+s4] =	stream.linear.scatter [tilespmem:s18], [sflag:$0x7], $0x4000, $0x38;
	[tilespmem:$0x14D30] =	vst v63  }
0x43: {  	s7 =	sadd.s32 @!p1 s0, s13  }
0x44: {  	s9 =	sadd.s32 @!p1 $0x280, s7  }
0x45: {  	p2 =	slt.s32 @!p1 s9, $0x18620  }
0x46: {  	_ =	swait.ge [sflag:s23], $0x4000;
	p2 =	por !p2, p1  }
0x47: {  	s10 =	simm.s32 @!p1 $0x80;
	[sflag:s23] =	ssyncset.done $0x0;
	s9 =	simm.s32 @p2 $0x18620  }
0x48: {  	s11 =	simm.s32 @!p1 $0xD30;
	[sflag:s23] =	ssyncadd.s32 $0xFFFFC000;
	s9 =	ssub.s32 @!p1 s9, s5  }
0x49: {  	[tilespmem:s11], [sflag:$0x1] =	stream.indirect.gather @!p1 [spmem:s3], $0x80, s9, s10, $0xb8;
	[tilespmem:$0x14D30] =	vst v63  }
0x4a: {  	s9 =	sadd.s32 $0x100, s8  }
0x4b: {  	p2 =	slt.s32 s9, $0x18620  }
0x4c: {  	_ =	swait.ge [sflag:s24], $0x4000;
	s9 =	simm.s32 @!p2 $0x18620  }
0x4d: {  	[sflag:s24] =	ssyncset.done $0x0;
	s9 =	sshll.u32 s9, $0x4  }
0x4e: {  	[sflag:s24] =	ssyncadd.s32 $0xFFFFC000;
	s9 =	sadd.s32 s1, s9  }
0x4f: {  	[hbm4b:s9+s4] =	stream.linear.scatter [tilespmem:s19], [sflag:$0x8], $0x4000, $0x38;
	[tilespmem:$0x14D30] =	vst v63  }
0x50: {  	s9 =	sadd.s32 @!p1 $0x300, s7  }
0x51: {  	p2 =	slt.s32 @!p1 s9, $0x18620  }
0x52: {  	_ =	swait.ge [sflag:s25], $0x4000;
	p2 =	por !p2, p1  }
0x53: {  	[sflag:s25] =	ssyncset.done $0x0;
	s9 =	simm.s32 @p2 $0x18620  }
0x54: {  	s11 =	simm.s32 @!p1 $0x4D30;
	[sflag:s25] =	ssyncadd.s32 $0xFFFFC000;
	s9 =	ssub.s32 @!p1 s9, s5  }
0x55: {  	[tilespmem:s11], [sflag:$0x2] =	stream.indirect.gather @!p1 [spmem:s3], $0x80, s9, s10, $0xb8;
	[tilespmem:$0x14D30] =	vst v63  }
0x56: {  	s9 =	sadd.s32 $0x180, s8  }
0x57: {  	p2 =	slt.s32 s9, $0x18620  }
0x58: {  	_ =	swait.ge [sflag:s26], $0x4000;
	s9 =	simm.s32 @!p2 $0x18620  }
0x59: {  	s7 =	sadd.s32 @!p1 $0x380, s7;
	[sflag:s26] =	ssyncset.done $0x0;
	s9 =	sshll.u32 s9, $0x4  }
0x5a: {  	p2 =	slt.s32 @!p1 s7, $0x18620;
	[sflag:s26] =	ssyncadd.s32 $0xFFFFC000;
	s9 =	sadd.s32 s1, s9  }
0x5b: {  	[hbm4b:s9+s4] =	stream.linear.scatter [tilespmem:s20], [sflag:$0x9], $0x4000, $0x38;
	[tilespmem:$0x14D30] =	vst v63  }
0x5c: {  	p2 =	por !p2, p1;
	_ =	swait.ge [sflag:s28], $0x4000  }
0x5d: {  	s7 =	simm.s32 @p2 $0x18620;
	[sflag:s28] =	ssyncset.done $0x0  }
0x5e: {  	s7 =	ssub.s32 @!p1 s7, s5;
	s9 =	simm.s32 @!p1 $0x8D30;
	[sflag:s28] =	ssyncadd.s32 $0xFFFFC000  }
0x5f: {  	[tilespmem:s9], [sflag:$0x3] =	stream.indirect.gather @!p1 [spmem:s3], $0x80, s7, s10, $0xb8;
	[tilespmem:$0x14D30] =	vst v63  }
0x60: {  	s7 =	sadd.s32 $0x200, s8  }
0x61: {  	p2 =	slt.s32 s7, $0x18620  }
0x62: {  	_ =	swait.ge [sflag:s29], $0x4000;
	s7 =	simm.s32 @!p2 $0x18620  }
0x63: {  	[sflag:s29] =	ssyncset.done $0x0;
	s7 =	sshll.u32 s7, $0x4  }
.Ltmp2:
0x64: {  	[sflag:s29] =	ssyncadd.s32 $0xFFFFC000;
	s7 =	sadd.s32 s1, s7;
	(pc) =	sbr.rel @p1 .LBB2_4-.Ltmp2, $4  }
0x65: {  	[hbm4b:s7+s4] =	stream.linear.scatter [tilespmem:s21], [sflag:$0xA], $0x4000, $0x38;
	[tilespmem:$0x14D30] =	vst v63  }
0x66: {  	_ =	swait.ge [sflag:s30], $0x4000  }
0x67: {  	[sflag:s30] =	ssyncset.done $0x0  }
0x68: {  	[sflag:s30] =	ssyncadd.s32 $0xFFFFC000  }
.Ltmp3:
0x69: {  	s7 =	sadd.s32 $0x400, s8;
	(pc) =	sbr.rel .LBB2_2-.Ltmp3, $4  }
0x6a: {  	p1 =	slt.s32 s7, $0x18620  }
0x6b: {  	s7 =	simm.s32 @!p1 $0x18620  }
0x6c: {  	s0 =	sadd.s32 $0x280, s0;
	s7 =	ssub.s32 s7, s5  }
0x6d: {  	[tilespmem:s20], [sflag:$0x4] =	stream.indirect.gather [spmem:s3], $0x80, s7, s16, $0xb8;
	[tilespmem:$0x14D30] =	vst v63  }
.LBB2_5:
0x6e: {  	_ =	sfence.sel $0x180000  }
0x6f: {  	[bflag:$0x0] =	sbarrier.arrive $0xFFFF  }
0x70: {  	_ =	strace $0x90000047  }
0x71: {  	[bflag:$0x2] =	sbarrier.arrive $0xFFFF  }
0x72: {  	s0 =	rddreg [dreg:$0x4]  }
0x73: {  	s0 =	sadd.s32 @!p0 $0x100000, s0  }
0x74: {  	[sflag:s0] =	ssyncadd.tile.s32 @!p0 $0x1;
	_ =	shalt  }
.Lfunc_end2:
_tile_overlayer_lowered:
.L_overlay_start_2:
0x75: {  	(tag) =	ssettag $0x2  }
0x76: {  	s0 =	rddreg [dreg:$0x0];
	s2 =	stileid.u32  }
0x77: {  	s1 =	rddreg [dreg:$0x1];
	p0 =	sne.s32 s2, $0x0  }
0x78: {  	s3 =	rddreg [dreg:$0x2];
	[bflag:$0x3] =	sbarrier.arrive $0xFFFF;
	s2 =	simm.s32 @!p0 $0x1C0B  }
0x79: {  	[timem:s3], [sflag:s2] =	dma.local @!p0 [hbm:s0], s1  }
0x7a: {  	s0 =	simm.s32 @!p0 $0xB  }
0x7b: {  	_ =	swait.ge @!p0 [sflag:s0], s1  }
0x7c: {  	s1 =	ssub.s32 @!p0 $0x0, s1;
	[sflag:s0] =	ssyncset.done @!p0 $0x0  }
0x7d: {  	[sflag:s0] =	ssyncadd.s32 @!p0 s1  }
0x7e: {  	[bflag:$0x3] =	sbarrier.arrive $0xFFFF  }
0x7f: {  	_ =	shalt  }

</sc_bundles>
